<compile_context>
chip_gen: v7x
topology: tpu7x:2x2x1
jax: 0.10.2.dev20260603
libtpu: 0.0.44.dev20260713+nightly
codegen_flags: <defaults>
</compile_context>

<pallas_src>
import functools

import jax
import jax.numpy as jnp
from jax import lax
from jax.experimental import pallas as pl
from jax.experimental.pallas import tpu as pltpu
from jax.experimental.pallas import tpu_sc as plsc

N_SPARSE_F = 26
VOCAB_SIZE = 100000
EMB_DIM = 16
N_SE = N_SPARSE_F * EMB_DIM

SC_CORES = 2
SC_SUBCORES = 16
SC_WORKERS = SC_CORES * SC_SUBCORES

CHUNK_B = 1024
N_CHUNKS = 16
N_ITEMS = N_SPARSE_F * N_CHUNKS
ITEMS_PER_WORKER = N_ITEMS // SC_WORKERS


def _sc_gather(tables, idx_fm, batch):
    mesh = plsc.VectorSubcoreMesh(core_axis_name="c", subcore_axis_name="s")

    @functools.partial(
        pl.kernel,
        out_type=jax.ShapeDtypeStruct((batch, N_SE), jnp.float32),
        mesh=mesh,
        compiler_params=pltpu.CompilerParams(use_tc_tiling_on_sc=False),
        scratch_types=[
            pltpu.VMEM((CHUNK_B,), jnp.int32),
            pltpu.VMEM((CHUNK_B, EMB_DIM), jnp.float32),
            pltpu.SemaphoreType.DMA,
        ],
    )
    def gather_kernel(table_hbm, idx_hbm, out_hbm, idx_v, rows_v, sem):
        wid = lax.axis_index("s") * SC_CORES + lax.axis_index("c")

        @pl.loop(0, ITEMS_PER_WORKER)
        def _(j):
            item = wid * ITEMS_PER_WORKER + j
            f = item // N_CHUNKS
            c = item - f * N_CHUNKS
            b0 = pl.multiple_of(c * CHUNK_B, 8)
            i0 = pl.multiple_of(f * batch + b0, 8)
            pltpu.sync_copy(idx_hbm.at[pl.ds(i0, CHUNK_B)], idx_v)
            pltpu.async_copy(table_hbm.at[idx_v], rows_v, sem).wait()
            pltpu.sync_copy(rows_v,
                            out_hbm.at[pl.ds(b0, CHUNK_B),
                                       pl.ds(f * EMB_DIM, EMB_DIM)])

    return gather_kernel(tables, idx_fm)


def _mlp_body(se_ref, df_ref, Wd_ref, bd_ref, W1s_ref, W1d_ref, b1_ref,
              W2_ref, b2_ref, W3_ref, b3_ref, Wo_ref, bo_ref, out_ref):
    se = se_ref[...]
    de = jnp.dot(df_ref[...], Wd_ref[...],
                 preferred_element_type=jnp.float32) + bd_ref[...]
    h = jnp.maximum(
        jnp.dot(se, W1s_ref[...], preferred_element_type=jnp.float32)
        + jnp.dot(de, W1d_ref[...], preferred_element_type=jnp.float32)
        + b1_ref[...], 0.0)
    h = jnp.maximum(
        jnp.dot(h, W2_ref[...], preferred_element_type=jnp.float32)
        + b2_ref[...], 0.0)
    h = jnp.maximum(
        jnp.dot(h, W3_ref[...], preferred_element_type=jnp.float32)
        + b3_ref[...], 0.0)
    fm = jnp.sum(se, axis=1) + jnp.sum(de, axis=1)
    logit = jnp.dot(h, Wo_ref[...], preferred_element_type=jnp.float32)[:, 0]
    out_ref[...] = logit + bo_ref[...] + 0.1 * fm


def _mlp(se, df, Wd, bd, W1s, W1d, b1, W2, b2, W3, b3, Wo, bo, tile_b=2048):
    B = df.shape[0]

    def full(a):
        return pl.BlockSpec(a.shape, lambda i: tuple(0 for _ in a.shape))

    return pl.pallas_call(
        _mlp_body,
        grid=(B // tile_b,),
        in_specs=[
            pl.BlockSpec((tile_b, N_SE), lambda i: (i, 0)),
            pl.BlockSpec((tile_b, df.shape[1]), lambda i: (i, 0)),
            full(Wd), full(bd), full(W1s), full(W1d), full(b1),
            full(W2), full(b2), full(W3), full(b3), full(Wo), full(bo),
        ],
        out_specs=pl.BlockSpec((tile_b,), lambda i: (i,)),
        out_shape=jax.ShapeDtypeStruct((B,), jnp.float32),
    )(se, df, Wd, bd, W1s, W1d, b1, W2, b2, W3, b3, Wo, bo)


def kernel(sparse_features, dense_features, tables, Wd, bd, W1, b1, W2, b2,
           W3, b3, Wo, bo):
    B = sparse_features.shape[0]
    offs = jnp.arange(N_SPARSE_F, dtype=jnp.int32) * VOCAB_SIZE
    idx_fm = (sparse_features.astype(jnp.int32).T
              + offs[:, None]).reshape(-1)

    flat_tables = tables.reshape(N_SPARSE_F * VOCAB_SIZE, EMB_DIM)

    se = _sc_gather(flat_tables, idx_fm, B)

    W1s = W1[:N_SE]
    W1d = W1[N_SE:]
    return _mlp(se, dense_features, Wd, bd, W1s, W1d, b1, W2, b2, W3, b3,
                Wo, bo)

# --- scband reference (transcript-rebuilt; emitter-appended) ---
"""Pipeline reference for scband-simple-deep-fm-27539330302412 (READ-ONLY COPY).

The authoritative reference and input builder live on the scoring server;
editing this copy changes nothing except your own understanding.
"""

import jax, jax.numpy as jnp
import numpy as np

N_SPARSE = 26
VOCAB = 100000
EMB = 16
N_DENSE = 13
BATCH = 16384
FM_IN = EMB * (N_SPARSE + N_DENSE)


def setup_inputs(seed: int = 0) -> dict:
    key = jax.random.key(seed)
    ks = jax.random.split(key, 16)
    sparse_features = jax.random.randint(ks[0], (BATCH, N_SPARSE), 0, VOCAB)
    dense_features = jax.random.normal(ks[1], (BATCH, N_DENSE), dtype=jnp.float32)
    # embedding tables (stacked since all vocabs are equal), xavier-uniform-like init
    bound = np.sqrt(6.0 / (VOCAB + EMB))
    tables = jax.random.uniform(ks[2], (N_SPARSE, VOCAB, EMB), minval=-bound, maxval=bound, dtype=jnp.float32)
    Wd = jax.random.normal(ks[3], (N_DENSE, EMB * N_DENSE), dtype=jnp.float32) * 0.05
    bd = jnp.zeros((EMB * N_DENSE,), dtype=jnp.float32)
    W1 = jax.random.normal(ks[4], (FM_IN, 256), dtype=jnp.float32) * 0.05
    b1 = jnp.zeros((256,), dtype=jnp.float32)
    W2 = jax.random.normal(ks[5], (256, 128), dtype=jnp.float32) * 0.05
    b2 = jnp.zeros((128,), dtype=jnp.float32)
    W3 = jax.random.normal(ks[6], (128, 64), dtype=jnp.float32) * 0.05
    b3 = jnp.zeros((64,), dtype=jnp.float32)
    Wo = jax.random.normal(ks[7], (64, 1), dtype=jnp.float32) * 0.05
    bo = jnp.zeros((1,), dtype=jnp.float32)
    return {"sparse_features": sparse_features, "dense_features": dense_features,
            "tables": tables, "Wd": Wd, "bd": bd, "W1": W1, "b1": b1,
            "W2": W2, "b2": b2, "W3": W3, "b3": b3, "Wo": Wo, "bo": bo}


def reference(sparse_features, dense_features, tables, Wd, bd, W1, b1, W2, b2, W3, b3, Wo, bo):
    B = sparse_features.shape[0]
    # per-field embedding lookup, then concat along feature dim
    offs = jnp.arange(N_SPARSE, dtype=sparse_features.dtype) * VOCAB
    flat_tables = tables.reshape(N_SPARSE * VOCAB, EMB)
    idx = (sparse_features + offs[None, :]).reshape(-1)
    sparse_emb = jnp.take(flat_tables, idx, axis=0).reshape(B, N_SPARSE * EMB)
    dense_emb = dense_features @ Wd + bd
    x = jnp.concatenate([sparse_emb, dense_emb], axis=1)
    # deep tower (Dropout is identity in eval mode)
    h = jax.nn.relu(x @ W1 + b1)
    h = jax.nn.relu(h @ W2 + b2)
    h = jax.nn.relu(h @ W3 + b3)
    fm_first = jnp.sum(x, axis=1, keepdims=True)
    logits = (h @ Wo + bo) + fm_first * 0.1
    return jnp.squeeze(logits, -1)

if __name__ == "__main__":
    import jax
    _d = setup_inputs()
    print(jax.jit(kernel)(*tuple(_d.values())))

</pallas_src>

<mosaic_0001>
#map = affine_map<(d0, d1) -> (0, 0)>
#map1 = affine_map<(d0, d1) -> (0)>
module attributes {stable_mosaic.version = 14 : i64} {
  func.func @gather_kernel(%arg0: i32, %arg1: i32, %arg2: memref<2600000x16xf32, #tpu.memory_space<hbm>>, %arg3: memref<425984xi32, #tpu.memory_space<hbm>>, %arg4: memref<16384x416xf32, #tpu.memory_space<hbm>>, %arg5: memref<1024xi32, #tpu.memory_space<vmem>>, %arg6: memref<1024x16xf32, #tpu.memory_space<vmem>>, %arg7: memref<!tpu.dma_semaphore, #tpu.memory_space<semaphore_mem>>) attributes {dimension_semantics = [#tpu.dimension_semantics<core_parallel>, #tpu.dimension_semantics<subcore_parallel>], iteration_bounds = array<i64: 2, 16>, scalar_prefetch = 0 : i64, scratch_operands = 3 : i64, tpu.core_type = #tpu.core_type<sc_vector_subcore>, window_params = [{transform_indices = #map}, {transform_indices = #map1}, {transform_indices = #map}]} {
    %mul3A = arith.constant 2 : i32
    %mul3A_0 = arith.muli %arg1, %mul3A : i32
    %add3A = arith.addi %mul3A_0, %arg0 : i32
    %scan3A = arith.constant 0 : i32
    %scan3A_1 = arith.constant 13 : i32
    %scan3A_2 = arith.addi %scan3A, %scan3A_1 : i32
    %scan3A_3 = arith.constant 1 : i32
    scf.for %scan3A_5 = %scan3A to %scan3A_2 step %scan3A_3  : i32 {
      %mul3A_6 = arith.constant 1 : i32
      %mul3A_7 = arith.muli %scan3A_5, %mul3A_6 : i32
      %add3A_8 = arith.constant 0 : i32
      %add3A_9 = arith.addi %add3A_8, %mul3A_7 : i32
      %mul3A_10 = arith.constant 13 : i32
      %mul3A_11 = arith.muli %add3A, %mul3A_10 : i32
      %add3A_12 = arith.addi %mul3A_11, %add3A_9 : i32
      %jit3A = arith.constant 16 : i32
      %div3A = arith.divsi %add3A_12, %jit3A : i32
      %sign3A = arith.constant 0 : i32
      %sign3A_13 = arith.cmpi sgt, %add3A_12, %sign3A : i32
      %sign3A_14 = arith.extui %sign3A_13 : i1 to i32
      %sign3A_15 = arith.constant 0 : i32
      %sign3A_16 = arith.cmpi slt, %add3A_12, %sign3A_15 : i32
      %sign3A_17 = arith.extui %sign3A_16 : i1 to i32
      %sign3A_18 = arith.subi %sign3A_14, %sign3A_17 : i32
      %sign3A_19 = arith.constant 0 : i32
      %sign3A_20 = arith.cmpi sgt, %jit3A, %sign3A_19 : i32
      %sign3A_21 = arith.extui %sign3A_20 : i1 to i32
      %sign3A_22 = arith.constant 0 : i32
      %sign3A_23 = arith.cmpi slt, %jit3A, %sign3A_22 : i32
      %sign3A_24 = arith.extui %sign3A_23 : i1 to i32
      %sign3A_25 = arith.subi %sign3A_21, %sign3A_24 : i32
      %ne3A = arith.cmpi ne, %sign3A_18, %sign3A_25 : i32
      %rem3A = arith.remsi %add3A_12, %jit3A : i32
      %ne3A_26 = arith.constant 0 : i32
      %ne3A_27 = arith.cmpi ne, %rem3A, %ne3A_26 : i32
      %and3A = arith.andi %ne3A, %ne3A_27 : i1
      %sub3A = arith.constant 1 : i32
      %sub3A_28 = arith.subi %div3A, %sub3A : i32
      %select_n3A = arith.select %and3A, %sub3A_28, %div3A : i32
      %mul3A_29 = arith.constant 16 : i32
      %mul3A_30 = arith.muli %select_n3A, %mul3A_29 : i32
      %sub3A_31 = arith.subi %add3A_12, %mul3A_30 : i32
      %mul3A_32 = arith.constant 1024 : i32
      %mul3A_33 = arith.muli %sub3A_31, %mul3A_32 : i32
      %multiple_of3A = tpu.assume_multiple %mul3A_33, 8 : i32
      %mul3A_34 = arith.constant 16384 : i32
      %mul3A_35 = arith.muli %select_n3A, %mul3A_34 : i32
      %add3A_36 = arith.addi %mul3A_35, %multiple_of3A : i32
      %multiple_of3A_37 = tpu.assume_multiple %add3A_36, 8 : i32
      "tpu.region"() ({
        %run_scoped3A = tpu.sem_alloc : memref<!tpu.dma_semaphore, #tpu.memory_space<semaphore_mem>>
        %dma_start3A_44 = tpu.memref_slice %arg3[%multiple_of3A_37] : memref<425984xi32, #tpu.memory_space<hbm>> -> memref<1024xi32, #tpu.memory_space<hbm>>
        %dma_start3A_45 = tpu.memref_slice %arg3[%multiple_of3A_37] : memref<425984xi32, #tpu.memory_space<hbm>> -> memref<1024xi32, #tpu.memory_space<hbm>>
        tpu.enqueue_dma source(%dma_start3A_45 : memref<1024xi32, #tpu.memory_space<hbm>>) target(%arg5 : memref<1024xi32, #tpu.memory_space<vmem>>) target_semaphore(%run_scoped3A : memref<!tpu.dma_semaphore, #tpu.memory_space<semaphore_mem>>)
        %dma_wait3A_46 = tpu.memref_slice %arg3[%multiple_of3A_37] : memref<425984xi32, #tpu.memory_space<hbm>> -> memref<1024xi32, #tpu.memory_space<hbm>>
        %dma_wait3A_47 = tpu.memref_slice %arg3[%multiple_of3A_37] : memref<425984xi32, #tpu.memory_space<hbm>> -> memref<1024xi32, #tpu.memory_space<hbm>>
        tpu.wait_dma2 semaphore(%run_scoped3A : memref<!tpu.dma_semaphore, #tpu.memory_space<semaphore_mem>>) src(%dma_wait3A_47 : memref<1024xi32, #tpu.memory_space<hbm>>) dst(%arg5 : memref<1024xi32, #tpu.memory_space<vmem>>)
        tpu.yield
      }) : () -> ()
      %dma_start3A = arith.constant 0 : i32
      %dma_start3A_38 = arith.constant 0 : i32
      %dma_start3A_39 = tpu.memref_slice %arg2[%dma_start3A, %dma_start3A_38] : memref<2600000x16xf32, #tpu.memory_space<hbm>> -> memref<2600000x16xf32, #tpu.memory_space<hbm>>
      tpu.enqueue_indirect_dma source(%dma_start3A_39 : memref<2600000x16xf32, #tpu.memory_space<hbm>>) target(%arg6 : memref<1024x16xf32, #tpu.memory_space<vmem>>) offsets(%arg5 : memref<1024xi32, #tpu.memory_space<vmem>>) semaphore(%arg7 : memref<!tpu.dma_semaphore, #tpu.memory_space<semaphore_mem>>)
      %dma_wait3A = arith.constant 0 : i32
      %dma_wait3A_40 = arith.constant 0 : i32
      %dma_wait3A_41 = tpu.memref_slice %arg2[%dma_wait3A, %dma_wait3A_40] : memref<2600000x16xf32, #tpu.memory_space<hbm>> -> memref<2600000x16xf32, #tpu.memory_space<hbm>>
      tpu.wait_indirect_dma semaphore(%arg7 : memref<!tpu.dma_semaphore, #tpu.memory_space<semaphore_mem>>) src(%dma_wait3A_41 : memref<2600000x16xf32, #tpu.memory_space<hbm>>) dst(%arg6 : memref<1024x16xf32, #tpu.memory_space<vmem>>)
      %mul3A_42 = arith.constant 16 : i32
      %mul3A_43 = arith.muli %select_n3A, %mul3A_42 : i32
      "tpu.region"() ({
        %run_scoped3A = tpu.sem_alloc : memref<!tpu.dma_semaphore, #tpu.memory_space<semaphore_mem>>
        %dma_start3A_44 = tpu.memref_slice %arg4[%multiple_of3A, %mul3A_43] : memref<16384x416xf32, #tpu.memory_space<hbm>> -> memref<1024x16xf32, #tpu.memory_space<hbm>>
        %dma_start3A_45 = tpu.memref_slice %arg4[%multiple_of3A, %mul3A_43] : memref<16384x416xf32, #tpu.memory_space<hbm>> -> memref<1024x16xf32, #tpu.memory_space<hbm>>
        tpu.enqueue_dma source(%arg6 : memref<1024x16xf32, #tpu.memory_space<vmem>>) target(%dma_start3A_45 : memref<1024x16xf32, #tpu.memory_space<hbm>>) target_semaphore(%run_scoped3A : memref<!tpu.dma_semaphore, #tpu.memory_space<semaphore_mem>>)
        %dma_wait3A_46 = tpu.memref_slice %arg4[%multiple_of3A, %mul3A_43] : memref<16384x416xf32, #tpu.memory_space<hbm>> -> memref<1024x16xf32, #tpu.memory_space<hbm>>
        %dma_wait3A_47 = tpu.memref_slice %arg4[%multiple_of3A, %mul3A_43] : memref<16384x416xf32, #tpu.memory_space<hbm>> -> memref<1024x16xf32, #tpu.memory_space<hbm>>
        tpu.wait_dma2 semaphore(%run_scoped3A : memref<!tpu.dma_semaphore, #tpu.memory_space<semaphore_mem>>) src(%arg6 : memref<1024x16xf32, #tpu.memory_space<vmem>>) dst(%dma_wait3A_47 : memref<1024x16xf32, #tpu.memory_space<hbm>>)
        tpu.yield
      }) : () -> ()
    }
    %scan3A_4 = arith.constant 13 : i32
    return
  }
}

module attributes {stable_mosaic.version = 14 : i64} {
  func.func @_mlp_body(%arg0: i32, %arg1: memref<2048x416xf32, #tpu.memory_space<vmem>>, %arg2: memref<2048x13xf32, #tpu.memory_space<vmem>>, %arg3: memref<13x208xf32, #tpu.memory_space<vmem>>, %arg4: memref<208xf32, #tpu.memory_space<vmem>>, %arg5: memref<416x256xf32, #tpu.memory_space<vmem>>, %arg6: memref<208x256xf32, #tpu.memory_space<vmem>>, %arg7: memref<256xf32, #tpu.memory_space<vmem>>, %arg8: memref<256x128xf32, #tpu.memory_space<vmem>>, %arg9: memref<128xf32, #tpu.memory_space<vmem>>, %arg10: memref<128x64xf32, #tpu.memory_space<vmem>>, %arg11: memref<64xf32, #tpu.memory_space<vmem>>, %arg12: memref<64x1xf32, #tpu.memory_space<vmem>>, %arg13: memref<1xf32, #tpu.memory_space<vmem>>, %arg14: memref<2048xf32, #tpu.memory_space<vmem>>) attributes {dimension_semantics = [#tpu.dimension_semantics<arbitrary>], iteration_bounds = array<i64: 8>, scalar_prefetch = 0 : i64, scratch_operands = 0 : i64, tpu.core_type = #tpu.core_type<tc>, window_params = [{transform_indices = @transform_0, window_bounds = array<i64: 2048, 416>}, {transform_indices = @transform_1, window_bounds = array<i64: 2048, 13>}, {pipeline_mode = #tpu.pipeline_mode<synchronous>, transform_indices = @transform_2, window_bounds = array<i64: 13, 208>}, {pipeline_mode = #tpu.pipeline_mode<synchronous>, transform_indices = @transform_3, window_bounds = array<i64: 208>}, {pipeline_mode = #tpu.pipeline_mode<synchronous>, transform_indices = @transform_4, window_bounds = array<i64: 416, 256>}, {pipeline_mode = #tpu.pipeline_mode<synchronous>, transform_indices = @transform_5, window_bounds = array<i64: 208, 256>}, {pipeline_mode = #tpu.pipeline_mode<synchronous>, transform_indices = @transform_6, window_bounds = array<i64: 256>}, {pipeline_mode = #tpu.pipeline_mode<synchronous>, transform_indices = @transform_7, window_bounds = array<i64: 256, 128>}, {pipeline_mode = #tpu.pipeline_mode<synchronous>, transform_indices = @transform_8, window_bounds = array<i64: 128>}, {pipeline_mode = #tpu.pipeline_mode<synchronous>, transform_indices = @transform_9, window_bounds = array<i64: 128, 64>}, {pipeline_mode = #tpu.pipeline_mode<synchronous>, transform_indices = @transform_10, window_bounds = array<i64: 64>}, {pipeline_mode = #tpu.pipeline_mode<synchronous>, transform_indices = @transform_11, window_bounds = array<i64: 64, 1>}, {pipeline_mode = #tpu.pipeline_mode<synchronous>, transform_indices = @transform_12, window_bounds = array<i64: 1>}, {transform_indices = @transform_13, window_bounds = array<i64: 2048>}]} {
    %get3A = arith.constant 0 : index
    %get3A_0 = arith.constant 0 : index
    %get3A_1 = vector.load %arg1[%get3A, %get3A_0] : memref<2048x416xf32, #tpu.memory_space<vmem>>, vector<2048x416xf32>
    %get3A_2 = arith.constant 0 : index
    %get3A_3 = arith.constant 0 : index
    %get3A_4 = vector.load %arg2[%get3A_2, %get3A_3] : memref<2048x13xf32, #tpu.memory_space<vmem>>, vector<2048x13xf32>
    %get3A_5 = arith.constant 0 : index
    %get3A_6 = arith.constant 0 : index
    %get3A_7 = vector.load %arg3[%get3A_5, %get3A_6] : memref<13x208xf32, #tpu.memory_space<vmem>>, vector<13x208xf32>
    %dot_general3A = arith.constant dense<0.000000e+00> : vector<2048x208xf32>
    %dot_general3A_8 = tpu.matmul %get3A_4, %get3A_7, %dot_general3A {dimension_numbers = #tpu.dot_dimension_numbers<[1], [0], [0], [1], [0, 0, 1, 1], [], []>, transpose_lhs_hint = false} : vector<2048x13xf32>, vector<13x208xf32>, vector<2048x208xf32> -> vector<2048x208xf32>
    %get3A_9 = arith.constant 0 : index
    %get3A_10 = vector.load %arg4[%get3A_9] : memref<208xf32, #tpu.memory_space<vmem>>, vector<208xf32>
    %broadcast_in_dim3A = vector.shape_cast %get3A_10 : vector<208xf32> to vector<1x208xf32>
    %add3A = vector.broadcast %broadcast_in_dim3A : vector<1x208xf32> to vector<2048x208xf32>
    %add3A_11 = arith.addf %dot_general3A_8, %add3A : vector<2048x208xf32>
    %get3A_12 = arith.constant 0 : index
    %get3A_13 = arith.constant 0 : index
    %get3A_14 = vector.load %arg5[%get3A_12, %get3A_13] : memref<416x256xf32, #tpu.memory_space<vmem>>, vector<416x256xf32>
    %dot_general3A_15 = arith.constant dense<0.000000e+00> : vector<2048x256xf32>
    %dot_general3A_16 = tpu.matmul %get3A_1, %get3A_14, %dot_general3A_15 {dimension_numbers = #tpu.dot_dimension_numbers<[1], [0], [0], [1], [0, 0, 1, 1], [], []>, transpose_lhs_hint = false} : vector<2048x416xf32>, vector<416x256xf32>, vector<2048x256xf32> -> vector<2048x256xf32>
    %get3A_17 = arith.constant 0 : index
    %get3A_18 = arith.constant 0 : index
    %get3A_19 = vector.load %arg6[%get3A_17, %get3A_18] : memref<208x256xf32, #tpu.memory_space<vmem>>, vector<208x256xf32>
    %dot_general3A_20 = arith.constant dense<0.000000e+00> : vector<2048x256xf32>
    %dot_general3A_21 = tpu.matmul %add3A_11, %get3A_19, %dot_general3A_20 {dimension_numbers = #tpu.dot_dimension_numbers<[1], [0], [0], [1], [0, 0, 1, 1], [], []>, transpose_lhs_hint = false} : vector<2048x208xf32>, vector<208x256xf32>, vector<2048x256xf32> -> vector<2048x256xf32>
    %add3A_22 = arith.addf %dot_general3A_16, %dot_general3A_21 : vector<2048x256xf32>
    %get3A_23 = arith.constant 0 : index
    %get3A_24 = vector.load %arg7[%get3A_23] : memref<256xf32, #tpu.memory_space<vmem>>, vector<256xf32>
    %broadcast_in_dim3A_25 = vector.shape_cast %get3A_24 : vector<256xf32> to vector<1x256xf32>
    %add3A_26 = vector.broadcast %broadcast_in_dim3A_25 : vector<1x256xf32> to vector<2048x256xf32>
    %add3A_27 = arith.addf %add3A_22, %add3A_26 : vector<2048x256xf32>
    %max3A = arith.constant 0.000000e+00 : f32
    %max3A_28 = vector.broadcast %max3A : f32 to vector<2048x256xf32>
    %max3A_29 = arith.maximumf %add3A_27, %max3A_28 : vector<2048x256xf32>
    %get3A_30 = arith.constant 0 : index
    %get3A_31 = arith.constant 0 : index
    %get3A_32 = vector.load %arg8[%get3A_30, %get3A_31] : memref<256x128xf32, #tpu.memory_space<vmem>>, vector<256x128xf32>
    %dot_general3A_33 = arith.constant dense<0.000000e+00> : vector<2048x128xf32>
    %dot_general3A_34 = tpu.matmul %max3A_29, %get3A_32, %dot_general3A_33 {dimension_numbers = #tpu.dot_dimension_numbers<[1], [0], [0], [1], [0, 0, 1, 1], [], []>, transpose_lhs_hint = false} : vector<2048x256xf32>, vector<256x128xf32>, vector<2048x128xf32> -> vector<2048x128xf32>
    %get3A_35 = arith.constant 0 : index
    %get3A_36 = vector.load %arg9[%get3A_35] : memref<128xf32, #tpu.memory_space<vmem>>, vector<128xf32>
    %broadcast_in_dim3A_37 = vector.shape_cast %get3A_36 : vector<128xf32> to vector<1x128xf32>
    %add3A_38 = vector.broadcast %broadcast_in_dim3A_37 : vector<1x128xf32> to vector<2048x128xf32>
    %add3A_39 = arith.addf %dot_general3A_34, %add3A_38 : vector<2048x128xf32>
    %max3A_40 = arith.constant 0.000000e+00 : f32
    %max3A_41 = vector.broadcast %max3A_40 : f32 to vector<2048x128xf32>
    %max3A_42 = arith.maximumf %add3A_39, %max3A_41 : vector<2048x128xf32>
    %get3A_43 = arith.constant 0 : index
    %get3A_44 = arith.constant 0 : index
    %get3A_45 = vector.load %arg10[%get3A_43, %get3A_44] : memref<128x64xf32, #tpu.memory_space<vmem>>, vector<128x64xf32>
    %dot_general3A_46 = arith.constant dense<0.000000e+00> : vector<2048x64xf32>
    %dot_general3A_47 = tpu.matmul %max3A_42, %get3A_45, %dot_general3A_46 {dimension_numbers = #tpu.dot_dimension_numbers<[1], [0], [0], [1], [0, 0, 1, 1], [], []>, transpose_lhs_hint = false} : vector<2048x128xf32>, vector<128x64xf32>, vector<2048x64xf32> -> vector<2048x64xf32>
    %get3A_48 = arith.constant 0 : index
    %get3A_49 = vector.load %arg11[%get3A_48] : memref<64xf32, #tpu.memory_space<vmem>>, vector<64xf32>
    %broadcast_in_dim3A_50 = vector.shape_cast %get3A_49 : vector<64xf32> to vector<1x64xf32>
    %add3A_51 = vector.broadcast %broadcast_in_dim3A_50 : vector<1x64xf32> to vector<2048x64xf32>
    %add3A_52 = arith.addf %dot_general3A_47, %add3A_51 : vector<2048x64xf32>
    %max3A_53 = arith.constant 0.000000e+00 : f32
    %max3A_54 = vector.broadcast %max3A_53 : f32 to vector<2048x64xf32>
    %max3A_55 = arith.maximumf %add3A_52, %max3A_54 : vector<2048x64xf32>
    %reduce_sum3A = arith.constant dense<0.000000e+00> : vector<2048xf32>
    %reduce_sum3A_56 = vector.multi_reduction <add>, %get3A_1, %reduce_sum3A [1] : vector<2048x416xf32> to vector<2048xf32>
    %reduce_sum3A_57 = arith.constant dense<0.000000e+00> : vector<2048xf32>
    %reduce_sum3A_58 = vector.multi_reduction <add>, %add3A_11, %reduce_sum3A_57 [1] : vector<2048x208xf32> to vector<2048xf32>
    %add3A_59 = arith.addf %reduce_sum3A_56, %reduce_sum3A_58 : vector<2048xf32>
    %get3A_60 = arith.constant 0 : index
    %get3A_61 = arith.constant 0 : index
    %get3A_62 = vector.load %arg12[%get3A_60, %get3A_61] : memref<64x1xf32, #tpu.memory_space<vmem>>, vector<64x1xf32>
    %dot_general3A_63 = arith.constant dense<0.000000e+00> : vector<2048x1xf32>
    %dot_general3A_64 = tpu.matmul %max3A_55, %get3A_62, %dot_general3A_63 {dimension_numbers = #tpu.dot_dimension_numbers<[1], [0], [0], [1], [0, 0, 1, 1], [], []>, transpose_lhs_hint = false} : vector<2048x64xf32>, vector<64x1xf32>, vector<2048x1xf32> -> vector<2048x1xf32>
    %squeeze3A = vector.shape_cast %dot_general3A_64 : vector<2048x1xf32> to vector<2048xf32>
    %get3A_65 = arith.constant 0 : index
    %get3A_66 = vector.load %arg13[%get3A_65] : memref<1xf32, #tpu.memory_space<vmem>>, vector<1xf32>
    %add3A_67 = vector.broadcast %get3A_66 : vector<1xf32> to vector<2048xf32>
    %add3A_68 = arith.addf %squeeze3A, %add3A_67 : vector<2048xf32>
    %mul3A = arith.constant 1.000000e-01 : f32
    %mul3A_69 = vector.broadcast %mul3A : f32 to vector<2048xf32>
    %mul3A_70 = arith.mulf %mul3A_69, %add3A_59 : vector<2048xf32>
    %add3A_71 = arith.addf %add3A_68, %mul3A_70 : vector<2048xf32>
    %swap3A = arith.constant 0 : index
    %swap3A_72 = vector.load %arg14[%swap3A] : memref<2048xf32, #tpu.memory_space<vmem>>, vector<2048xf32>
    tpu.vector_store %arg14[%swap3A], %add3A_71 {strides = array<i32>} : memref<2048xf32, #tpu.memory_space<vmem>>, vector<2048xf32>,
    return
  }
  func.func @transform_0(%arg0: i32) -> (i32, i32) {
    %c0_i32 = arith.constant 0 : i32
    %c0_i32_0 = arith.constant 0 : i32
    return %arg0, %c0_i32 : i32, i32
  }
  func.func @transform_1(%arg0: i32) -> (i32, i32) {
    %c0_i32 = arith.constant 0 : i32
    %c0_i32_0 = arith.constant 0 : i32
    return %arg0, %c0_i32 : i32, i32
  }
  func.func @transform_2(%arg0: i32) -> (i32, i32) {
    %c0_i32 = arith.constant 0 : i32
    %c0_i32_0 = arith.constant 0 : i32
    %c0_i32_1 = arith.constant 0 : i32
    return %c0_i32, %c0_i32_0 : i32, i32
  }
  func.func @transform_3(%arg0: i32) -> i32 {
    %c0_i32 = arith.constant 0 : i32
    %c0_i32_0 = arith.constant 0 : i32
    return %c0_i32 : i32
  }
  func.func @transform_4(%arg0: i32) -> (i32, i32) {
    %c0_i32 = arith.constant 0 : i32
    %c0_i32_0 = arith.constant 0 : i32
    %c0_i32_1 = arith.constant 0 : i32
    return %c0_i32, %c0_i32_0 : i32, i32
  }
  func.func @transform_5(%arg0: i32) -> (i32, i32) {
    %c0_i32 = arith.constant 0 : i32
    %c0_i32_0 = arith.constant 0 : i32
    %c0_i32_1 = arith.constant 0 : i32
    return %c0_i32, %c0_i32_0 : i32, i32
  }
  func.func @transform_6(%arg0: i32) -> i32 {
    %c0_i32 = arith.constant 0 : i32
    %c0_i32_0 = arith.constant 0 : i32
    return %c0_i32 : i32
  }
  func.func @transform_7(%arg0: i32) -> (i32, i32) {
    %c0_i32 = arith.constant 0 : i32
    %c0_i32_0 = arith.constant 0 : i32
    %c0_i32_1 = arith.constant 0 : i32
    return %c0_i32, %c0_i32_0 : i32, i32
  }
  func.func @transform_8(%arg0: i32) -> i32 {
    %c0_i32 = arith.constant 0 : i32
    %c0_i32_0 = arith.constant 0 : i32
    return %c0_i32 : i32
  }
  func.func @transform_9(%arg0: i32) -> (i32, i32) {
    %c0_i32 = arith.constant 0 : i32
    %c0_i32_0 = arith.constant 0 : i32
    %c0_i32_1 = arith.constant 0 : i32
    return %c0_i32, %c0_i32_0 : i32, i32
  }
  func.func @transform_10(%arg0: i32) -> i32 {
    %c0_i32 = arith.constant 0 : i32
    %c0_i32_0 = arith.constant 0 : i32
    return %c0_i32 : i32
  }
  func.func @transform_11(%arg0: i32) -> (i32, i32) {
    %c0_i32 = arith.constant 0 : i32
    %c0_i32_0 = arith.constant 0 : i32
    %c0_i32_1 = arith.constant 0 : i32
    return %c0_i32, %c0_i32_0 : i32, i32
  }
  func.func @transform_12(%arg0: i32) -> i32 {
    %c0_i32 = arith.constant 0 : i32
    %c0_i32_0 = arith.constant 0 : i32
    return %c0_i32 : i32
  }
  func.func @transform_13(%arg0: i32) -> i32 {
    %c0_i32 = arith.constant 0 : i32
    return %arg0 : i32
  }
}

</mosaic_0001>

<sc_bundles>
// kernel: kernel.4.cloned.1.call-start
scs
__scs_entry_jumppad:
0x0: {  	(pc) =	sbr.rel $0x88, $3  }
0x1: {  	(tag) =	ssettag $0x0;
	lr =	simm.s32 $0x1  }
0x2: {  	[smem:$0x3F94] =	sst lr;
	_ =	strace $0xD0000000  }
0x3: {  	_ = 	snop  }
0x4: {  	_ = 	snop  }
0x5: {  	_ = 	snop  }
0x6: {  	_ = 	snop  }
0x7: {  	_ = 	snop  }
__scs_overlays_trampoline_lowered:
0x8: {  	[smem:$0x3FA3] =	sst s0  }
0x9: {  	[smem:$0x3FA4] =	sst s1  }
0xa: {  	[smem:$0x3FA5] =	sst s2  }
0xb: {  	[smem:$0x3FA6] =	sst s3  }
0xc: {  	[smem:$0x3FA7] =	sst s4  }
0xd: {  	[smem:$0x3FA8] =	sst s5  }
0xe: {  	[smem:$0x3FA9] =	sst s6  }
0xf: {  	[smem:$0x3FAA] =	sst s7  }
0x10: {  	[smem:$0x3FAB] =	sst s8  }
0x11: {  	[smem:$0x3FAC] =	sst s9;
	s0 =	simm.s32 @!p0 $0x0  }
0x12: {  	s1 =	sld [smem:$0x3F92];
	s0 =	simm.s32 @p0 $0x1  }
0x13: {  	[smem:$0x3FAD] =	sst s0;
	s0 =	simm.s32 @!p1 $0x0  }
0x14: {  	s2 =	sld [smem:$0x3F91];
	s0 =	simm.s32 @p1 $0x1  }
0x15: {  	[smem:$0x3FAE] =	sst s0;
	s0 =	simm.s32 @!p2 $0x0  }
0x16: {  	s3 =	sld [smem:$0x3FDB];
	s0 =	simm.s32 @p2 $0x1  }
0x17: {  	s4 =	simm.s32 $0x1BF5;
	[smem:$0x3FB0] =	sst s0  }
0x18: {  	s0 =	sld [smem:$0x3F93];
	_ =	swait.ge [sflag:s4], $0x0  }
0x19: {  	s7 =	sld [smem:$0x3F94]  }
0x1a: {  	s8 =	sadd.s32 $0xFFFFE003, lr  }
0x1b: {  	s9 =	sadd.s32 $0xFFFFFEF7, lr;
	s5 =	simm.s32 $0xFFFFFFFF;
	p2 =	slt.u32 s8, $0xFFFFF086  }
0x1c: {  	p1 =	slt.u32 s9, $0xF7A;
	s5 =	simm.s32 @!p2 $0x0  }
0x1d: {  	s5 =	simm.s32 @p1 $0x1;
	p0 =	seq.s32 s7, s2  }
0x1e: {  	s7 =	smul.u32 @!p0 $0xF7A, s2;
	p2 =	seq.s32 @!p0 s5, $0x0  }
0x1f: {  	s9 =	smul.u32 $0xF7A, s1;
	s8 =	simm.s32 @!p0 $0x1BF5;
	p2 =	por !p2, p0  }
0x20: {  	[sflag:s8] =	ssyncset.s32 @!p0 $0xFFFFF086;
	s6 =	sadd.s32 @!p0 s3, s7;
	s7 =	simm.s32 @!p0 $0x108  }
0x21: {  	s3 =	sadd.s32 s3, s9;
	s6 =	sadd.s32 @!p0 $0x88, s6;
	s7 =	simm.s32 @p2 $0x1082  }
0x22: {  	[simem:s7], [sflag:s8] =	dma.local @!p0 [hbm:s6], $0xF7A  }
0x23: {  	s9 =	sor.u32 $0xD0000000, s2;
	s6 =	simm.s32 $0x108;
	_ =	swait.ge @!p0 [sflag:s8], $0x0  }
0x24: {  	s3 =	sadd.s32 $0x88, s3;
	s6 =	simm.s32 @!p1 $0x1082;
	[sflag:s4] =	ssyncset.s32 $0xFFFFF086  }
0x25: {  	[simem:s6], [sflag:s4] =	dma.local [hbm:s3], $0xF7A  }
0x26: {  	[smem:$0x3F94] =	sst s1;
	(tag) =	ssettag s2;
	_ =	strace s9  }
0x27: {  	s1 =	sld [smem:$0x3FA4]  }
0x28: {  	s2 =	sld [smem:$0x3FA5]  }
0x29: {  	s4 =	sld [smem:$0x3FA7]  }
0x2a: {  	p0 =	seq.s32 s5, $0x0;
	s5 =	sld [smem:$0x3FA8]  }
0x2b: {  	s6 =	sld [smem:$0x3FA9]  }
0x2c: {  	s7 =	sld [smem:$0x3FAA]  }
0x2d: {  	s3 =	simm.s32 $0x108;
	s8 =	sld [smem:$0x3FAB]  }
0x2e: {  	s3 =	simm.s32 @!p0 $0x1082;
	s9 =	sld [smem:$0x3FAC]  }
0x2f: {  	lr =	sadd.s32 s0, s3;
	s0 =	sld [smem:$0x3FA3]  }
0x30: {  	s3 =	sld [smem:$0x3FA6]  }
0x31: {  	[smem:$0x3FAF] =	sst s10  }
0x32: {  	s10 =	sld [smem:$0x3FAD];
	_ =	sdelay $0x3  }
0x33: {  	p0 =	seq.s32 s10, $0x1;
	s10 =	sld [smem:$0x3FAF];
	_ =	sdelay $0x3  }
0x34: {  	[smem:$0x3FAF] =	sst s10  }
0x35: {  	s10 =	sld [smem:$0x3FAE];
	_ =	sdelay $0x3  }
0x36: {  	p1 =	seq.s32 s10, $0x1;
	s10 =	sld [smem:$0x3FAF];
	_ =	sdelay $0x3  }
0x37: {  	[smem:$0x3FAF] =	sst s10  }
0x38: {  	s10 =	sld [smem:$0x3FB0]  }
0x39: {  	_ = 	snop;
	(pc) =	sbr.ind lr, $3  }
0x3a: {  	_ = 	snop  }
0x3b: {  	_ = 	snop  }
0x3c: {  	p2 =	seq.s32 s10, $0x1;
	s10 =	sld [smem:$0x3FAF]  }
0x3d: {  	_ =	shalt  }
0x3e: {  	_ =	shalt  }
0x3f: {  	_ =	shalt  }
0x40: {  	_ =	shalt  }
0x41: {  	_ =	shalt  }
0x42: {  	_ =	shalt  }
0x43: {  	_ =	shalt  }
0x44: {  	_ =	shalt  }
0x45: {  	_ =	shalt  }
0x46: {  	_ =	shalt  }
0x47: {  	_ =	shalt  }
0x48: {  	_ =	shalt  }
0x49: {  	_ =	shalt  }
0x4a: {  	_ =	shalt  }
0x4b: {  	_ =	shalt  }
0x4c: {  	_ =	shalt  }
0x4d: {  	_ =	shalt  }
0x4e: {  	_ =	shalt  }
0x4f: {  	_ =	shalt  }
0x50: {  	_ =	shalt  }
0x51: {  	_ =	shalt  }
0x52: {  	_ =	shalt  }
0x53: {  	_ =	shalt  }
0x54: {  	_ =	shalt  }
0x55: {  	_ =	shalt  }
0x56: {  	_ =	shalt  }
0x57: {  	_ =	shalt  }
0x58: {  	_ =	shalt  }
0x59: {  	_ =	shalt  }
0x5a: {  	_ =	shalt  }
0x5b: {  	_ =	shalt  }
0x5c: {  	_ =	shalt  }
0x5d: {  	_ =	shalt  }
0x5e: {  	_ =	shalt  }
0x5f: {  	_ =	shalt  }
0x60: {  	_ =	shalt  }
0x61: {  	_ =	shalt  }
0x62: {  	_ =	shalt  }
0x63: {  	_ =	shalt  }
0x64: {  	_ =	shalt  }
0x65: {  	_ =	shalt  }
0x66: {  	_ =	shalt  }
0x67: {  	_ =	shalt  }
0x68: {  	_ =	shalt  }
0x69: {  	_ =	shalt  }
0x6a: {  	_ =	shalt  }
0x6b: {  	_ =	shalt  }
0x6c: {  	_ =	shalt  }
0x6d: {  	_ =	shalt  }
0x6e: {  	_ =	shalt  }
0x6f: {  	_ =	shalt  }
0x70: {  	_ =	shalt  }
0x71: {  	_ =	shalt  }
0x72: {  	_ =	shalt  }
0x73: {  	_ =	shalt  }
0x74: {  	_ =	shalt  }
0x75: {  	_ =	shalt  }
0x76: {  	_ =	shalt  }
0x77: {  	_ =	shalt  }
0x78: {  	_ =	shalt  }
0x79: {  	_ =	shalt  }
0x7a: {  	_ =	shalt  }
0x7b: {  	_ =	shalt  }
0x7c: {  	_ =	shalt  }
0x7d: {  	_ =	shalt  }
0x7e: {  	_ =	shalt  }
0x7f: {  	_ =	shalt  }
0x80: {  	_ =	shalt  }
0x81: {  	_ =	shalt  }
0x82: {  	_ =	shalt  }
0x83: {  	_ =	shalt  }
0x84: {  	_ =	shalt  }
0x85: {  	_ =	shalt  }
0x86: {  	_ =	shalt  }
0x87: {  	_ =	shalt  }
.Lfunc_end0:
.L_simem_size_0:
called_computation_lowered:
.L_overlay_start_0:
0x88: {  	s2 =	sld [smem:$0x3FD9]  }
0x89: {  	s3 =	sld [smem:$0x3FFE];
	_ =	sdelay $0x1  }
0x8a: {  	s1 =	srdreg.scid  }
0x8b: {  	s0 =	sand.u32 $0x1, s1  }
0x8c: {  	s16 =	sshll.u32 s0, $0xA;
	s2 =	sadd.s32 s3, s2  }
0x8d: {  	s2 =	sadd.s32 s2, s16  }
0x8e: {  	[smem:$0x3FBB] =	sst s2  }
0x8f: {  	_ = 	snop  }
0x90: {  	(tm) =	ssettm $0x1  }
0x91: {  	s17 =	sld [smem:$0x3FFB];
	_ =	sdelay $0x3  }
0x92: {  	_ =	strace s17  }
0x93: {  	s2 =	sld [smem:$0x3FFC];
	_ =	sdelay $0x3  }
0x94: {  	_ =	strace s2  }
0x95: {  	s2 =	sld [smem:$0x3FFD];
	_ =	sdelay $0x3  }
0x96: {  	_ =	strace s2  }
0x97: {  	_ =	strace $0x8FFFFFFF  }
0x98: {  	s18 =	sld [smem:$0x3FDB];
	_ =	sdelay $0x1  }
0x99: {  	s19 =	simm.s32 $_scs_section_size  }
0x9a: {  	s4 =	simm.s32 $_size__tile_overlayer_lowered;
	s5 =	simm.s32 $_tile_overlayer_lowered  }
0x9b: {  	s22 =	simm.s32 $0x1BFF;
	s21 =	sshll.u32 s5, $0x1;
	s2 =	sadd.s32 s19, s18  }
0x9c: {  	s6 =	simm.s32 $0x0;
	s20 =	sshll.u32 s4, $0x1;
	s4 =	sadd.s32 s21, s2  }
0x9d: {  	[timem:s6], [sflag:s22] =	dma.local [hbm:s4], s20  }
0x9e: {  	_ =	swait.ge [sflag:s22], s20  }
0x9f: {  	s3 =	ssub.s32 $0x0, s20;
	[sflag:s22] =	ssyncset.done $0x0  }
0xa0: {  	[sflag:s22] =	ssyncadd.s32 s3;
	_ =	sdelay $0x1  }
0xa1: {  	s23 =	simm.s32 $0x1B8B  }
0xa2: {  	_ =	swait.ge [sflag:s23], $0x1  }
0xa3: {  	[sflag:s23] =	ssyncset.done $0x0  }
0xa4: {  	s25 =	simm.s32 $0x1B8E;
	s24 =	sld [smem:$0x3FFE];
	[sflag:s23] =	ssyncadd.s32 $0xFFFFFFFF  }
0xa5: {  	s26 =	simm.s32 $execute0_lowered;
	[smem:$0x3FD2] =	sst s25  }
0xa6: {  	s4 =	sshll.u32 s26, $0x1;
	_ =	strace $0x80000046;
	[dreg:$0x1] =	wrdreg $0xFFFFFFFF  }
0xa7: {  	s28 =	simm.s32 $_size_execute0_lowered;
	s2 =	sadd.s32 s2, s4;
	[dreg:$0x0] =	wrdreg $0x0  }
0xa8: {  	s4 =	sshll.u32 s28, $0x1;
	[dreg:$0x2] =	wrdreg s2  }
0xa9: {  	[dreg:$0x3] =	wrdreg s4  }
0xaa: {  	[dreg:$0x4] =	wrdreg $0xC0  }
0xab: {  	_ =	task [dreg:s6], $0x5FFFF  }
0xac: {  	[dreg:$0x1] =	wrdreg $0xFFFFFFFF  }
0xad: {  	[dreg:$0x0] =	wrdreg $0x60  }
0xae: {  	[dreg:$0x2] =	wrdreg s24  }
0xaf: {  	[dreg:$0x3] =	wrdreg $0x9  }
0xb0: {  	_ =	task.clear_ibuf [dreg:s6], $0x4FFFF;
	_ =	strace $0x90000046  }
0xb1: {  	s29 =	simm.s32 $0x9;
	_ =	strace $0x80000048  }
0xb2: {  	_ =	swait.ge [sflag:s29], $0x1  }
0xb3: {  	[sflag:s29] =	ssyncadd.s32 $0xFFFFFFFF  }
0xb4: {  	_ =	strace $0x90000048  }
0xb5: {  	_ =	sfence  }
0xb6: {  	s30 =	sld [smem:$0x0];
	_ =	sdelay $0x2  }
0xb7: {  	s31 =	sshll.u32 s1, $0xD;
	s1 =	sshrl.u32 s1, $0x2  }
0xb8: {  	s3 =	sand.u32 $0x4000, s31;
	s1 =	sadd.s32 s1, s30  }
0xb9: {  	s0 =	sor.u32 s3, s0;
	s1 =	sshll.u32 s1, $0x11  }
0xba: {  	s0 =	sor.u32 s1, s0  }
0xbb: {  	s0 =	sadd.s32 $0x8F2B, s0  }
0xbc: {  	[sflag:s0] =	ssyncadd.remote.s32 $0x1  }
0xbd: {  	_ =	sfence.sel $0xFFFF  }
0xbe: {  	[dreg:$0x0] =	wrdreg $0xFFFFFFFF;
	(pc) =	sbr.abs _section_cstart, $3  }
0xbf: {  	[dreg:$0x1] =	wrdreg $0xFFFFFFFF  }
0xc0: {  	_ =	task.clear_ibuf [dreg:s6], $0x2FFFF;
	_ =	strace $0x9FFFFFFF  }
0xc1: {  	(tm) =	ssettm $0x7FFFFFFF  }
tec
execute0_lowered:
.L_overlay_start_1:
0x0: {  	(tag) =	ssettag $0x1  }
0x1: {  	s4 =	rddreg [dreg:$0x0]  }
0x2: {  	s0 =	rddreg [dreg:$0x1];
	s2 =	simm.s32 $0x0;
	s1 =	stileid.u32  }
0x3: {  	s3 =	srdreg.scid;
	s12 =	simm.s32 $0x1A0;
	s5 =	smul.u32 $0xD00, s1  }
0x4: {  	s13 =	simm.s32 $0x0;
	s6 =	sand.u32 $0x1, s3;
	s9 =	smul.u32 $0x1A, s1  }
0x5: {  	[smem:$0x7FF] =	sst s2;
	s3 =	sadd.s32 $0x27AE000, s4;
	s7 =	smul.u32 $0x680, s6  }
0x6: {  	_ =	strace $0x80000047;
	s8 =	ssub.s32 $0x2, s6;
	s11 =	smul.u32 $0xD, s6  }
0x7: {  	s5 =	sadd.s32 s5, s4;
	s10 =	sshrl.u32 s8, $0x1;
	s4 =	sadd.s32 $0xEC00, s4  }
0x8: {  	s31 =	ssub.s32 s8, s10;
	s7 =	sadd.s32 s7, s5;
	s8 =	simm.s32 $0x2  }
0x9: {  	s10 =	simm.s32 $0x1;
	s5 =	smax.u32 s31, $0x1;
	s6 =	sadd.s32 $0x1C00, s7  }
0xa: {  	s7 =	sadd.s32 s11, s9;
	s9 =	simm.s32 $0x400;
	s11 =	simm.s32 $0x10  }
.LBB2_1:
0xb: {  	[tilespmem:s2], [sflag:$0x2] =	stream.linear.gather [hbm4b:s6+s2], $0x400, $0x38;
	[tilespmem:$0x4400] =	vst v63  }
0xc: {  	s14 =	sadd.s32 $0x0, s7;
	_ =	swait.ge [sflag:s8], $0x400  }
0xd: {  	s15 =	sand.u32 $0xF, s14;
	[sflag:s8] =	ssyncset.done $0x0  }
0xe: {  	s14 =	sand.u32 $0x3F0, s14;
	s15 =	smul.u32 $0x68000, s15;
	[sflag:s8] =	ssyncadd.s32 $0xFFFFFC00  }
0xf: {  	[tilespmem:s9], [sflag:$0x1] =	stream.indirect.gather [hbm4b:s3+s9], $0x10, s2, s9, $0xb8;
	[tilespmem:$0x4400] =	vst v63  }
0x10: {  	s14 =	sor.u32 s14, s15;
	_ =	swait.ge [sflag:s10], $0x4000  }
0x11: {  	s14 =	sshrl.u32 s14, $0x3;
	[sflag:s10] =	ssyncset.done $0x0  }
0x12: {  	s14 =	sadd.s32 s4, s14;
	[sflag:s10] =	ssyncadd.s32 $0xFFFFC000  }
0x13: {  	[hbm4b:s14+s11] =	stream.strided.scatter [tilespmem:s9], [sflag:$0x2], $0x4000, s12, s11, $0x38;
	[tilespmem:$0x4400] =	vst v63  }
0x14: {  	_ =	swait.ge [sflag:s8], $0x4000  }
0x15: {  	s15 =	smov.u32 s6;
	s14 =	simm.s32 $0x1;
	[sflag:s8] =	ssyncset.done $0x0  }
.LBB2_2:
0x16: {  	p0 =	sne.s32 s14, $0xC;
	[sflag:s8] =	ssyncadd.s32 $0xFFFFC000;
	s15 =	sadd.s32 $0x80, s15  }
0x17: {  	[tilespmem:s2], [sflag:$0x2] =	stream.linear.gather [hbm4b:s15+s2], $0x400, $0x38;
	[tilespmem:$0x4400] =	vst v63  }
0x18: {  	s16 =	sadd.s32 s14, s7;
	s14 =	sadd.s32 $0x1, s14;
	_ =	swait.ge [sflag:s8], $0x400  }
0x19: {  	s17 =	sand.u32 $0xF, s16;
	[sflag:s8] =	ssyncset.done $0x0  }
0x1a: {  	s16 =	sand.u32 $0x3F0, s16;
	s17 =	smul.u32 $0x68000, s17;
	[sflag:s8] =	ssyncadd.s32 $0xFFFFFC00  }
0x1b: {  	[tilespmem:s9], [sflag:$0x1] =	stream.indirect.gather [hbm4b:s3+s9], $0x10, s2, s9, $0xb8;
	[tilespmem:$0x4400] =	vst v63  }
0x1c: {  	s16 =	sor.u32 s16, s17;
	_ =	swait.ge [sflag:s10], $0x4000  }
.Ltmp0:
0x1d: {  	s16 =	sshrl.u32 s16, $0x3;
	[sflag:s10] =	ssyncset.done $0x0;
	(pc) =	sbr.rel @p0 .LBB2_2-.Ltmp0, $4  }
0x1e: {  	s16 =	sadd.s32 s4, s16;
	[sflag:s10] =	ssyncadd.s32 $0xFFFFC000  }
0x1f: {  	[hbm4b:s16+s11] =	stream.strided.scatter [tilespmem:s9], [sflag:$0x2], $0x4000, s12, s11, $0x38;
	[tilespmem:$0x4400] =	vst v63  }
0x20: {  	_ =	swait.ge [sflag:s8], $0x4000  }
0x21: {  	[sflag:s8] =	ssyncset.done $0x0  }
0x22: {  	s13 =	sadd.s32 $0x1, s13  }
0x23: {  	p0 =	sne.s32 s13, s5  }
.Ltmp1:
0x24: {  	_ = 	snop;
	(pc) =	sbr.rel @p0 .LBB2_1-.Ltmp1, $2  }
0x25: {  	_ =	sdelay $0x2  }
0x26: {  	[sflag:s8] =	ssyncadd.s32 $0xFFFFC000  }
0x27: {  	_ =	sfence.sel $0x180000  }
0x28: {  	[bflag:$0x0] =	sbarrier.arrive $0xFFFF  }
0x29: {  	p0 =	sne.s32 s1, $0x0;
	_ =	strace $0x90000047  }
0x2a: {  	s0 =	sadd.s32 @!p0 $0x100000, s0;
	[bflag:$0x2] =	sbarrier.arrive $0xFFFF  }
0x2b: {  	[sflag:s0] =	ssyncadd.tile.s32 @!p0 $0x1;
	_ =	shalt  }
.Lfunc_end2:
_tile_overlayer_lowered:
.L_overlay_start_2:
0x2c: {  	(tag) =	ssettag $0x2  }
0x2d: {  	s0 =	rddreg [dreg:$0x0];
	s2 =	stileid.u32  }
0x2e: {  	s1 =	rddreg [dreg:$0x1];
	p0 =	sne.s32 s2, $0x0  }
0x2f: {  	s3 =	rddreg [dreg:$0x2];
	[bflag:$0x3] =	sbarrier.arrive $0xFFFF;
	s2 =	simm.s32 @!p0 $0x1C02  }
0x30: {  	[timem:s3], [sflag:s2] =	dma.local @!p0 [hbm:s0], s1  }
0x31: {  	s0 =	simm.s32 @!p0 $0x2  }
0x32: {  	_ =	swait.ge @!p0 [sflag:s0], s1  }
0x33: {  	s1 =	ssub.s32 @!p0 $0x0, s1;
	[sflag:s0] =	ssyncset.done @!p0 $0x0  }
0x34: {  	[sflag:s0] =	ssyncadd.s32 @!p0 s1  }
0x35: {  	[bflag:$0x3] =	sbarrier.arrive $0xFFFF  }
0x36: {  	_ =	shalt  }

</sc_bundles>
